<compile_context>
chip_gen: v7x
topology: tpu7x:2x2x1
jax: 0.10.2.dev20260603
libtpu: 0.0.44.dev20260713+nightly
codegen_flags: <defaults>
</compile_context>

<pallas_src>
import functools

import jax
import jax.numpy as jnp
from jax import lax
from jax.experimental import pallas as pl
from jax.experimental.pallas import tpu as pltpu
from jax.experimental.pallas import tpu_sc as plsc

_NC = 2
_NS = 16
_NW = _NC * _NS

_INT_MAX = 2**31 - 1


def _argmax_body(v, f_ref, g_ref, out_ref, vscr):
    j = pl.program_id(0)
    s = f_ref[...] + g_ref[...]
    p, vb = s.shape
    gidx = j * vb + lax.broadcasted_iota(jnp.int32, (p, vb), 1)
    s = jnp.where(gidx < v, s, -jnp.inf)
    bm = jnp.max(s, axis=1, keepdims=True)
    bi = jnp.min(jnp.where(s == bm, gidx, _INT_MAX), axis=1, keepdims=True)
    bmb = jnp.broadcast_to(bm, (p, 128))
    bib = jnp.broadcast_to(bi, (p, 128))

    @pl.when(j == 0)
    def _():
        vscr[...] = bmb
        out_ref[...] = bib

    @pl.when(j > 0)
    def _():
        cur = vscr[...]
        better = bmb > cur
        vscr[...] = jnp.where(better, bmb, cur)
        out_ref[...] = jnp.where(better, bib, out_ref[...])


def _argmax_rows(fair, gumbels, vb=65536):
    p, v = fair.shape
    nb = pl.cdiv(v, vb)
    out = pl.pallas_call(
        functools.partial(_argmax_body, v),
        grid=(nb,),
        in_specs=[
            pl.BlockSpec((p, vb), lambda j: (0, j)),
            pl.BlockSpec((p, vb), lambda j: (0, j)),
        ],
        out_specs=pl.BlockSpec((p, 128), lambda j: (0, 0)),
        out_shape=jax.ShapeDtypeStruct((p, 128), jnp.int32),
        scratch_shapes=[
            pltpu.VMEM((p, 128), jnp.float32),
        ],
    )(fair, gumbels)
    return out[:, 0]


def _sc_gather_body(nch, cr, ids_hbm, table_hbm, out_hbm, idx_v, buf_a, buf_b,
                    sem_ga, sem_gb):
    wid = lax.axis_index("s") * _NC + lax.axis_index("c")
    nrows = nch * cr
    base = wid * nrows
    pltpu.sync_copy(ids_hbm.at[pl.ds(base, nrows)], idx_v)

    def gather_chunk(j, buf, sem):
        def grp(g, _):
            v16 = idx_v[pl.ds(j * cr + 16 * g, 16)]
            for lane in range(16):
                pltpu.make_async_copy(
                    table_hbm.at[v16[lane]], buf.at[16 * g + lane], sem
                ).start()
            return _
        lax.fori_loop(0, cr // 16, grp, None)

    def drain(buf, sem):
        pltpu.make_async_copy(table_hbm.at[pl.ds(0, cr)], buf, sem).wait()

    gather_chunk(0, buf_a, sem_ga)

    def body(k, _):
        j0 = 2 * k
        gather_chunk(j0 + 1, buf_b, sem_gb)
        drain(buf_a, sem_ga)
        pltpu.sync_copy(buf_a, out_hbm.at[pl.ds(base + j0 * cr, cr)])

        @pl.when(j0 + 2 < nch)
        def _():
            gather_chunk(j0 + 2, buf_a, sem_ga)

        drain(buf_b, sem_gb)
        pltpu.sync_copy(buf_b, out_hbm.at[pl.ds(base + (j0 + 1) * cr, cr)])
        return _

    lax.fori_loop(0, nch // 2, body, None)


def _sc_gather(ids, table, cr=240):
    (n,) = ids.shape
    v, d = table.shape
    assert n % (_NW * cr) == 0
    nch = n // (_NW * cr)
    assert nch % 2 == 0 and cr % 16 == 0
    mesh = plsc.VectorSubcoreMesh(core_axis_name="c", subcore_axis_name="s")
    k = functools.partial(
        pl.kernel,
        out_type=jax.ShapeDtypeStruct((n, d), jnp.float32),
        mesh=mesh,
        scratch_types=[
            pltpu.VMEM((nch * cr,), jnp.int32),
            pltpu.VMEM((cr, d), jnp.float32),
            pltpu.VMEM((cr, d), jnp.float32),
            pltpu.SemaphoreType.DMA,
            pltpu.SemaphoreType.DMA,
        ],
    )(functools.partial(_sc_gather_body, nch, cr))
    return k(ids, table)


def _sc_pair_body(nch, cr, ids_hbm, table_hbm, out_hbm, oidx, pidx, buf128,
                  buf64, sem):
    wid = lax.axis_index("s") * _NC + lax.axis_index("c")
    base = wid * nch

    def body(j, _):
        pltpu.sync_copy(ids_hbm.at[base + j], oidx)

        def mk(g, _2):
            pidx[pl.ds(16 * g, 16)] = jnp.right_shift(oidx[pl.ds(16 * g, 16)], 1)
            return _2
        lax.fori_loop(0, cr // 16, mk, None)
        pltpu.async_copy(table_hbm.at[pidx], buf128, sem).wait()

        def selg(g, _2):
            ids16 = oidx[pl.ds(16 * g, 16)]
            par = (ids16 & 1) * 64
            rows = lax.iota(jnp.int32, 16) + 16 * g

            def selj(jj, _3):
                vals = plsc.load_gather(buf128, [rows, par + jj])
                plsc.store_scatter(buf64, [rows, jnp.full((16,), jj, jnp.int32)], vals)
                return _3
            lax.fori_loop(0, 64, selj, None)
            return _2
        lax.fori_loop(0, cr // 16, selg, None)
        pltpu.sync_copy(buf64, out_hbm.at[pl.ds((base + j) * cr, cr)])
        return _

    lax.fori_loop(0, nch, body, None)


def _sc_gather_pairs(ids2, table2):
    nr, cr = ids2.shape
    nch = nr // _NW
    v2, d2 = table2.shape
    d = d2 // 2
    mesh = plsc.VectorSubcoreMesh(core_axis_name="c", subcore_axis_name="s")
    k = functools.partial(
        pl.kernel,
        out_type=jax.ShapeDtypeStruct((nr * cr, d), jnp.float32),
        mesh=mesh,
        compiler_params=pltpu.CompilerParams(
            use_tc_tiling_on_sc=True, needs_layout_passes=False
        ),
        scratch_types=[
            pltpu.VMEM((cr,), jnp.int32),
            pltpu.VMEM((cr,), jnp.int32),
            pltpu.VMEM((cr, d2), jnp.float32),
            pltpu.VMEM((cr, d), jnp.float32),
            pltpu.SemaphoreType.DMA,
        ],
    )(functools.partial(_sc_pair_body, nch, cr))
    return k(ids2, table2)


def kernel(fair_sent_dist, table, gumbels, input_ids, attn_mask):
    p, v = fair_sent_dist.shape
    b, l = input_ids.shape
    d = table.shape[1]

    fair_ids = _argmax_rows(fair_sent_dist, gumbels)

    ids_full = jnp.concatenate(
        [jnp.broadcast_to(fair_ids[None, :], (b, p)), input_ids], axis=1
    ).astype(jnp.int32).reshape(-1)

    cr = 112
    ids2 = ids_full.reshape(-1, cr)
    table2 = table.reshape(-1, 2 * d)
    out_emb = _sc_gather_pairs(ids2, table2).reshape(b, p + l, d)

    attention_mask = jnp.concatenate(
        [jnp.ones((b, p), dtype=attn_mask.dtype), attn_mask], axis=1
    )
    return (out_emb, attention_mask)

# --- scband reference (transcript-rebuilt; emitter-appended) ---
"""Pipeline reference for scband-categorical-emb-36687610642890 (READ-ONLY COPY).

The authoritative reference and input builder live on the scoring server;
editing this copy changes nothing except your own understanding.
"""

import jax, jax.numpy as jnp
import numpy as np

VOCAB = 1000000
DIM = 64
B = 1024
L = 200
P = 10


def setup_inputs(seed: int = 0) -> dict:
    key = jax.random.key(seed)
    k1, k2, k3, k4 = jax.random.split(key, 4)
    input_ids = jax.random.randint(k1, (B, L), 0, VOCAB)
    attn_mask = jnp.ones((B, L), dtype=jnp.int32)
    # learned parameters
    fair_sent_dist = jax.random.normal(k2, (P, VOCAB), dtype=jnp.float32)
    table = jax.random.normal(k3, (VOCAB, DIM), dtype=jnp.float32) * 0.02
    # gumbel noise sampled once so forward is deterministic (torch F.gumbel_softmax samples internally)
    gumbels = jax.random.gumbel(k4, (P, VOCAB), dtype=jnp.float32)
    return {
        "fair_sent_dist": fair_sent_dist,
        "table": table,
        "gumbels": gumbels,
        "input_ids": input_ids,
        "attn_mask": attn_mask,
    }


def reference(fair_sent_dist, table, gumbels, input_ids, attn_mask):
    # gumbel_softmax(fair_sent_dist, dim=1), tau=1, soft
    y = jax.nn.softmax(fair_sent_dist + gumbels, axis=1)          # [P, VOCAB]
    fairprompt_ids = jnp.argmax(y, axis=1)                        # [P]
    fair_prompt = jnp.take(table, fairprompt_ids, axis=0)         # [P, DIM]
    bsz = input_ids.shape[0]
    fair_prompt_b = jnp.broadcast_to(fair_prompt[None, :, :], (bsz, P, DIM))
    embeddings = jnp.take(table, input_ids, axis=0)               # [B, L, DIM]
    out_emb = jnp.concatenate([fair_prompt_b, embeddings], axis=1)  # [B, P+L, DIM]
    attention_mask = jnp.concatenate(
        [jnp.ones((bsz, P), dtype=attn_mask.dtype), attn_mask], axis=1
    )
    return (out_emb, attention_mask)

if __name__ == "__main__":
    import jax
    _d = setup_inputs()
    print(jax.jit(kernel)(*tuple(_d.values())))

</pallas_src>

<mosaic_0001>
#map = affine_map<(d0, d1) -> (0, 0)>
module attributes {stable_mosaic.version = 14 : i64} {
  func.func @_sc_pair_body(%arg0: i32, %arg1: i32, %arg2: memref<1920x112xi32, #tpu.memory_space<hbm>>, %arg3: memref<500000x128xf32, #tpu.memory_space<hbm>>, %arg4: memref<215040x64xf32, #tpu.memory_space<hbm>>, %arg5: memref<112xi32, #tpu.memory_space<vmem>>, %arg6: memref<112xi32, #tpu.memory_space<vmem>>, %arg7: memref<112x128xf32, #tpu.memory_space<vmem>>, %arg8: memref<112x64xf32, #tpu.memory_space<vmem>>, %arg9: memref<!tpu.dma_semaphore, #tpu.memory_space<semaphore_mem>>) attributes {dimension_semantics = [#tpu.dimension_semantics<core_parallel>, #tpu.dimension_semantics<subcore_parallel>], iteration_bounds = array<i64: 2, 16>, scalar_prefetch = 0 : i64, scratch_operands = 5 : i64, tpu.core_type = #tpu.core_type<sc_vector_subcore>, window_params = [{transform_indices = #map}, {transform_indices = #map}, {transform_indices = #map}]} {
    %mul3A = arith.constant 2 : i32
    %mul3A_0 = arith.muli %arg1, %mul3A : i32
    %add3A = arith.addi %mul3A_0, %arg0 : i32
    %mul3A_1 = arith.constant 60 : i32
    %mul3A_2 = arith.muli %add3A, %mul3A_1 : i32
    %scan3A = arith.constant 0 : i32
    %scan3A_3 = arith.constant 60 : i32
    %scan3A_4 = arith.addi %scan3A, %scan3A_3 : i32
    %scan3A_5 = arith.constant 1 : i32
    scf.for %scan3A_7 = %scan3A to %scan3A_4 step %scan3A_5  : i32 {
      %add3A_8 = arith.addi %mul3A_2, %scan3A_7 : i32
      "tpu.region"() ({
        %run_scoped3A = tpu.sem_alloc : memref<!tpu.dma_semaphore, #tpu.memory_space<semaphore_mem>>
        %dma_start3A_26 = arith.constant 0 : i32
        %dma_start3A_27 = tpu.memref_slice %arg2[%add3A_8, %dma_start3A_26] : memref<1920x112xi32, #tpu.memory_space<hbm>> -> memref<1x112xi32, #tpu.memory_space<hbm>>
        %dma_start3A_28 = tpu.memref_squeeze %dma_start3A_27 : memref<1x112xi32, #tpu.memory_space<hbm>> -> memref<112xi32, #tpu.memory_space<hbm>>
        %dma_start3A_29 = arith.constant 0 : i32
        %dma_start3A_30 = tpu.memref_slice %arg2[%add3A_8, %dma_start3A_29] : memref<1920x112xi32, #tpu.memory_space<hbm>> -> memref<1x112xi32, #tpu.memory_space<hbm>>
        %dma_start3A_31 = tpu.memref_squeeze %dma_start3A_30 : memref<1x112xi32, #tpu.memory_space<hbm>> -> memref<112xi32, #tpu.memory_space<hbm>>
        tpu.enqueue_dma source(%dma_start3A_31 : memref<112xi32, #tpu.memory_space<hbm>>) target(%arg5 : memref<112xi32, #tpu.memory_space<vmem>>) target_semaphore(%run_scoped3A : memref<!tpu.dma_semaphore, #tpu.memory_space<semaphore_mem>>)
        %dma_wait3A_32 = arith.constant 0 : i32
        %dma_wait3A_33 = tpu.memref_slice %arg2[%add3A_8, %dma_wait3A_32] : memref<1920x112xi32, #tpu.memory_space<hbm>> -> memref<1x112xi32, #tpu.memory_space<hbm>>
        %dma_wait3A_34 = tpu.memref_squeeze %dma_wait3A_33 : memref<1x112xi32, #tpu.memory_space<hbm>> -> memref<112xi32, #tpu.memory_space<hbm>>
        %dma_wait3A_35 = arith.constant 0 : i32
        %dma_wait3A_36 = tpu.memref_slice %arg2[%add3A_8, %dma_wait3A_35] : memref<1920x112xi32, #tpu.memory_space<hbm>> -> memref<1x112xi32, #tpu.memory_space<hbm>>
        %dma_wait3A_37 = tpu.memref_squeeze %dma_wait3A_36 : memref<1x112xi32, #tpu.memory_space<hbm>> -> memref<112xi32, #tpu.memory_space<hbm>>
        tpu.wait_dma2 semaphore(%run_scoped3A : memref<!tpu.dma_semaphore, #tpu.memory_space<semaphore_mem>>) src(%dma_wait3A_37 : memref<112xi32, #tpu.memory_space<hbm>>) dst(%arg5 : memref<112xi32, #tpu.memory_space<vmem>>)
        tpu.yield
      }) : () -> ()
      %scan3A_9 = arith.constant 0 : i32
      %scan3A_10 = arith.constant 7 : i32
      %scan3A_11 = arith.addi %scan3A_9, %scan3A_10 : i32
      %scan3A_12 = arith.constant 1 : i32
      scf.for %scan3A_26 = %scan3A_9 to %scan3A_11 step %scan3A_12  : i32 {
        %mul3A_27 = arith.constant 16 : i32
        %mul3A_28 = arith.muli %mul3A_27, %scan3A_26 : i32
        %get3A = arith.index_cast %mul3A_28 : i32 to index
        %get3A_29 = tpu.vector_load %arg5[%get3A] {strides = array<i32>} : memref<112xi32, #tpu.memory_space<vmem>>, vector<16xi32>,
        %shift_right_arithmetic3A = arith.constant 1 : i32
        %shift_right_arithmetic3A_30 = vector.broadcast %shift_right_arithmetic3A : i32 to vector<16xi32>
        %shift_right_arithmetic3A_31 = arith.shrsi %get3A_29, %shift_right_arithmetic3A_30 : vector<16xi32>
        %mul3A_32 = arith.constant 16 : i32
        %mul3A_33 = arith.muli %mul3A_32, %scan3A_26 : i32
        %swap3A = arith.index_cast %mul3A_33 : i32 to index
        %swap3A_34 = tpu.vector_load %arg6[%swap3A] {strides = array<i32>} : memref<112xi32, #tpu.memory_space<vmem>>, vector<16xi32>,
        tpu.vector_store %arg6[%swap3A], %shift_right_arithmetic3A_31 {strides = array<i32>} : memref<112xi32, #tpu.memory_space<vmem>>, vector<16xi32>,
      }
      %scan3A_13 = arith.constant 7 : i32
      %dma_start3A = arith.constant 0 : i32
      %dma_start3A_14 = arith.constant 0 : i32
      %dma_start3A_15 = tpu.memref_slice %arg3[%dma_start3A, %dma_start3A_14] : memref<500000x128xf32, #tpu.memory_space<hbm>> -> memref<500000x128xf32, #tpu.memory_space<hbm>>
      tpu.enqueue_indirect_dma source(%dma_start3A_15 : memref<500000x128xf32, #tpu.memory_space<hbm>>) target(%arg7 : memref<112x128xf32, #tpu.memory_space<vmem>>) offsets(%arg6 : memref<112xi32, #tpu.memory_space<vmem>>) semaphore(%arg9 : memref<!tpu.dma_semaphore, #tpu.memory_space<semaphore_mem>>)
      %dma_wait3A = arith.constant 0 : i32
      %dma_wait3A_16 = arith.constant 0 : i32
      %dma_wait3A_17 = tpu.memref_slice %arg3[%dma_wait3A, %dma_wait3A_16] : memref<500000x128xf32, #tpu.memory_space<hbm>> -> memref<500000x128xf32, #tpu.memory_space<hbm>>
      tpu.wait_indirect_dma semaphore(%arg9 : memref<!tpu.dma_semaphore, #tpu.memory_space<semaphore_mem>>) src(%dma_wait3A_17 : memref<500000x128xf32, #tpu.memory_space<hbm>>) dst(%arg7 : memref<112x128xf32, #tpu.memory_space<vmem>>)
      %scan3A_18 = arith.constant 0 : i32
      %scan3A_19 = arith.constant 7 : i32
      %scan3A_20 = arith.addi %scan3A_18, %scan3A_19 : i32
      %scan3A_21 = arith.constant 1 : i32
      scf.for %scan3A_26 = %scan3A_18 to %scan3A_20 step %scan3A_21  : i32 {
        %mul3A_27 = arith.constant 16 : i32
        %mul3A_28 = arith.muli %mul3A_27, %scan3A_26 : i32
        %get3A = arith.index_cast %mul3A_28 : i32 to index
        %get3A_29 = tpu.vector_load %arg5[%get3A] {strides = array<i32>} : memref<112xi32, #tpu.memory_space<vmem>>, vector<16xi32>,
        %and3A = arith.constant 1 : i32
        %and3A_30 = vector.broadcast %and3A : i32 to vector<16xi32>
        %and3A_31 = arith.andi %get3A_29, %and3A_30 : vector<16xi32>
        %mul3A_32 = arith.constant 64 : i32
        %mul3A_33 = vector.broadcast %mul3A_32 : i32 to vector<16xi32>
        %mul3A_34 = arith.muli %and3A_31, %mul3A_33 : vector<16xi32>
        %iota3A = tpu.iota {dimensions = array<i32: 0>} : vector<16xi32>
        %mul3A_35 = arith.constant 16 : i32
        %mul3A_36 = arith.muli %mul3A_35, %scan3A_26 : i32
        %add3A_37 = vector.broadcast %mul3A_36 : i32 to vector<16xi32>
        %add3A_38 = arith.addi %iota3A, %add3A_37 : vector<16xi32>
        %scan3A_39 = arith.constant 0 : i32
        %scan3A_40 = arith.constant 64 : i32
        %scan3A_41 = arith.addi %scan3A_39, %scan3A_40 : i32
        %scan3A_42 = arith.constant 1 : i32
        scf.for %scan3A_44 = %scan3A_39 to %scan3A_41 step %scan3A_42  : i32 {
          %add3A_45 = vector.broadcast %scan3A_44 : i32 to vector<16xi32>
          %add3A_46 = arith.addi %mul3A_34, %add3A_45 : vector<16xi32>
          %gather3A = tpu.vector_load_idx %arg7[%add3A_38, %add3A_46] : memref<112x128xf32, #tpu.memory_space<vmem>>[vector<16xi32>, vector<16xi32>], vector<16xf32>,
          %broadcast_in_dim3A = vector.broadcast %scan3A_44 : i32 to vector<16xi32>
          tpu.vector_store_idx %arg8[%add3A_38, %broadcast_in_dim3A], %gather3A : memref<112x64xf32, #tpu.memory_space<vmem>>[vector<16xi32>, vector<16xi32>], vector<16xf32>,
        }
        %scan3A_43 = arith.constant 64 : i32
      }
      %scan3A_22 = arith.constant 7 : i32
      %add3A_23 = arith.addi %mul3A_2, %scan3A_7 : i32
      %mul3A_24 = arith.constant 112 : i32
      %mul3A_25 = arith.muli %add3A_23, %mul3A_24 : i32
      "tpu.region"() ({
        %run_scoped3A = tpu.sem_alloc : memref<!tpu.dma_semaphore, #tpu.memory_space<semaphore_mem>>
        %dma_start3A_26 = arith.constant 0 : i32
        %dma_start3A_27 = tpu.memref_slice %arg4[%mul3A_25, %dma_start3A_26] : memref<215040x64xf32, #tpu.memory_space<hbm>> -> memref<112x64xf32, #tpu.memory_space<hbm>>
        %dma_start3A_28 = arith.constant 0 : i32
        %dma_start3A_29 = tpu.memref_slice %arg4[%mul3A_25, %dma_start3A_28] : memref<215040x64xf32, #tpu.memory_space<hbm>> -> memref<112x64xf32, #tpu.memory_space<hbm>>
        tpu.enqueue_dma source(%arg8 : memref<112x64xf32, #tpu.memory_space<vmem>>) target(%dma_start3A_29 : memref<112x64xf32, #tpu.memory_space<hbm>>) target_semaphore(%run_scoped3A : memref<!tpu.dma_semaphore, #tpu.memory_space<semaphore_mem>>)
        %dma_wait3A_30 = arith.constant 0 : i32
        %dma_wait3A_31 = tpu.memref_slice %arg4[%mul3A_25, %dma_wait3A_30] : memref<215040x64xf32, #tpu.memory_space<hbm>> -> memref<112x64xf32, #tpu.memory_space<hbm>>
        %dma_wait3A_32 = arith.constant 0 : i32
        %dma_wait3A_33 = tpu.memref_slice %arg4[%mul3A_25, %dma_wait3A_32] : memref<215040x64xf32, #tpu.memory_space<hbm>> -> memref<112x64xf32, #tpu.memory_space<hbm>>
        tpu.wait_dma2 semaphore(%run_scoped3A : memref<!tpu.dma_semaphore, #tpu.memory_space<semaphore_mem>>) src(%arg8 : memref<112x64xf32, #tpu.memory_space<vmem>>) dst(%dma_wait3A_33 : memref<112x64xf32, #tpu.memory_space<hbm>>)
        tpu.yield
      }) : () -> ()
    }
    %scan3A_6 = arith.constant 60 : i32
    return
  }
}

module attributes {stable_mosaic.version = 14 : i64} {
  func.func @_argmax_body(%arg0: i32, %arg1: memref<10x65536xf32, #tpu.memory_space<vmem>>, %arg2: memref<10x65536xf32, #tpu.memory_space<vmem>>, %arg3: memref<10x128xi32, #tpu.memory_space<vmem>>, %arg4: memref<10x128xf32, #tpu.memory_space<vmem>>) attributes {dimension_semantics = [#tpu.dimension_semantics<arbitrary>], iteration_bounds = array<i64: 16>, scalar_prefetch = 0 : i64, scratch_operands = 1 : i64, tpu.core_type = #tpu.core_type<tc>, window_params = [{transform_indices = @transform_0, window_bounds = array<i64: 10, 65536>}, {transform_indices = @transform_1, window_bounds = array<i64: 10, 65536>}, {pipeline_mode = #tpu.pipeline_mode<synchronous>, transform_indices = @transform_2, window_bounds = array<i64: 10, 128>}]} {
    %get3A = arith.constant 0 : index
    %get3A_0 = arith.constant 0 : index
    %get3A_1 = vector.load %arg1[%get3A, %get3A_0] : memref<10x65536xf32, #tpu.memory_space<vmem>>, vector<10x65536xf32>
    %get3A_2 = arith.constant 0 : index
    %get3A_3 = arith.constant 0 : index
    %get3A_4 = vector.load %arg2[%get3A_2, %get3A_3] : memref<10x65536xf32, #tpu.memory_space<vmem>>, vector<10x65536xf32>
    %add3A = arith.addf %get3A_1, %get3A_4 : vector<10x65536xf32>
    %mul3A = arith.constant 65536 : i32
    %mul3A_5 = arith.muli %arg0, %mul3A : i32
    %iota3A = tpu.iota {dimensions = array<i32: 1>} : vector<10x65536xi32>
    %add3A_6 = vector.broadcast %mul3A_5 : i32 to vector<10x65536xi32>
    %add3A_7 = arith.addi %add3A_6, %iota3A : vector<10x65536xi32>
    %lt3A = arith.constant 1000000 : i32
    %lt3A_8 = vector.broadcast %lt3A : i32 to vector<10x65536xi32>
    %lt3A_9 = arith.cmpi slt, %add3A_7, %lt3A_8 : vector<10x65536xi32>
    %jit3A = arith.constant 0xFF800000 : f32
    %broadcast_in_dim3A = vector.broadcast %jit3A : f32 to vector<10x65536xf32>
    %select_n3A = arith.select %lt3A_9, %add3A, %broadcast_in_dim3A : vector<10x65536xi1>, vector<10x65536xf32>
    %reduce_max3A = arith.constant dense<0xFF800000> : vector<10xf32>
    %reduce_max3A_10 = vector.multi_reduction <maximumf>, %select_n3A, %reduce_max3A [1] : vector<10x65536xf32> to vector<10xf32>
    %broadcast_in_dim3A_11 = vector.shape_cast %reduce_max3A_10 : vector<10xf32> to vector<10x1xf32>
    %eq3A = vector.broadcast %broadcast_in_dim3A_11 : vector<10x1xf32> to vector<10x65536xf32>
    %eq3A_12 = arith.cmpf oeq, %select_n3A, %eq3A : vector<10x65536xf32>
    %jit3A_13 = arith.constant 2147483647 : i32
    %broadcast_in_dim3A_14 = vector.broadcast %jit3A_13 : i32 to vector<10x65536xi32>
    %select_n3A_15 = arith.select %eq3A_12, %add3A_7, %broadcast_in_dim3A_14 : vector<10x65536xi1>, vector<10x65536xi32>
    %reduce_min3A = arith.constant dense<2147483647> : vector<10xi32>
    %reduce_min3A_16 = vector.multi_reduction <minsi>, %select_n3A_15, %reduce_min3A [1] : vector<10x65536xi32> to vector<10xi32>
    %broadcast_in_dim3A_17 = vector.shape_cast %reduce_min3A_16 : vector<10xi32> to vector<10x1xi32>
    %broadcast_in_dim3A_18 = vector.shape_cast %broadcast_in_dim3A_11 : vector<10x1xf32> to vector<10x1xf32>
    %broadcast_in_dim3A_19 = vector.broadcast %broadcast_in_dim3A_18 : vector<10x1xf32> to vector<10x128xf32>
    %broadcast_in_dim3A_20 = vector.shape_cast %broadcast_in_dim3A_17 : vector<10x1xi32> to vector<10x1xi32>
    %broadcast_in_dim3A_21 = vector.broadcast %broadcast_in_dim3A_20 : vector<10x1xi32> to vector<10x128xi32>
    %eq3A_22 = arith.constant 0 : i32
    %eq3A_23 = arith.cmpi eq, %arg0, %eq3A_22 : i32
    %convert_element_type3A = arith.extui %eq3A_23 : i1 to i32
    %cond3A = arith.constant 0 : i32
    %cond3A_24 = arith.cmpi ne, %convert_element_type3A, %cond3A : i32
    scf.if %cond3A_24 {
      %swap3A = arith.constant 0 : index
      %swap3A_29 = arith.constant 0 : index
      %swap3A_30 = vector.load %arg4[%swap3A, %swap3A_29] : memref<10x128xf32, #tpu.memory_space<vmem>>, vector<10x128xf32>
      tpu.vector_store %arg4[%swap3A, %swap3A_29], %broadcast_in_dim3A_19 {strides = array<i32>} : memref<10x128xf32, #tpu.memory_space<vmem>>, vector<10x128xf32>,
      %swap3A_31 = arith.constant 0 : index
      %swap3A_32 = arith.constant 0 : index
      %swap3A_33 = vector.load %arg3[%swap3A_31, %swap3A_32] : memref<10x128xi32, #tpu.memory_space<vmem>>, vector<10x128xi32>
      tpu.vector_store %arg3[%swap3A_31, %swap3A_32], %broadcast_in_dim3A_21 {strides = array<i32>} : memref<10x128xi32, #tpu.memory_space<vmem>>, vector<10x128xi32>,
    } else {
    }
    %gt3A = arith.constant 0 : i32
    %gt3A_25 = arith.cmpi sgt, %arg0, %gt3A : i32
    %convert_element_type3A_26 = arith.extui %gt3A_25 : i1 to i32
    %cond3A_27 = arith.constant 0 : i32
    %cond3A_28 = arith.cmpi ne, %convert_element_type3A_26, %cond3A_27 : i32
    scf.if %cond3A_28 {
      %get3A_29 = arith.constant 0 : index
      %get3A_30 = arith.constant 0 : index
      %get3A_31 = vector.load %arg4[%get3A_29, %get3A_30] : memref<10x128xf32, #tpu.memory_space<vmem>>, vector<10x128xf32>
      %gt3A_32 = arith.cmpf ogt, %broadcast_in_dim3A_19, %get3A_31 : vector<10x128xf32>
      %select_n3A_33 = arith.select %gt3A_32, %broadcast_in_dim3A_19, %get3A_31 : vector<10x128xi1>, vector<10x128xf32>
      %swap3A = arith.constant 0 : index
      %swap3A_34 = arith.constant 0 : index
      %swap3A_35 = vector.load %arg4[%swap3A, %swap3A_34] : memref<10x128xf32, #tpu.memory_space<vmem>>, vector<10x128xf32>
      tpu.vector_store %arg4[%swap3A, %swap3A_34], %select_n3A_33 {strides = array<i32>} : memref<10x128xf32, #tpu.memory_space<vmem>>, vector<10x128xf32>,
      %get3A_36 = arith.constant 0 : index
      %get3A_37 = arith.constant 0 : index
      %get3A_38 = vector.load %arg3[%get3A_36, %get3A_37] : memref<10x128xi32, #tpu.memory_space<vmem>>, vector<10x128xi32>
      %select_n3A_39 = arith.select %gt3A_32, %broadcast_in_dim3A_21, %get3A_38 : vector<10x128xi1>, vector<10x128xi32>
      %swap3A_40 = arith.constant 0 : index
      %swap3A_41 = arith.constant 0 : index
      %swap3A_42 = vector.load %arg3[%swap3A_40, %swap3A_41] : memref<10x128xi32, #tpu.memory_space<vmem>>, vector<10x128xi32>
      tpu.vector_store %arg3[%swap3A_40, %swap3A_41], %select_n3A_39 {strides = array<i32>} : memref<10x128xi32, #tpu.memory_space<vmem>>, vector<10x128xi32>,
    } else {
    }
    return
  }
  func.func @transform_0(%arg0: i32) -> (i32, i32) {
    %c0_i32 = arith.constant 0 : i32
    %c0_i32_0 = arith.constant 0 : i32
    return %c0_i32, %arg0 : i32, i32
  }
  func.func @transform_1(%arg0: i32) -> (i32, i32) {
    %c0_i32 = arith.constant 0 : i32
    %c0_i32_0 = arith.constant 0 : i32
    return %c0_i32, %arg0 : i32, i32
  }
  func.func @transform_2(%arg0: i32) -> (i32, i32) {
    %c0_i32 = arith.constant 0 : i32
    %c0_i32_0 = arith.constant 0 : i32
    %c0_i32_1 = arith.constant 0 : i32
    return %c0_i32, %c0_i32_0 : i32, i32
  }
}

</mosaic_0001>

<sc_bundles>
// kernel: kernel.4.cloned.1.call-start
scs
__scs_entry_jumppad:
0x0: {  	(pc) =	sbr.rel $0x88, $3  }
0x1: {  	(tag) =	ssettag $0x0;
	lr =	simm.s32 $0x1  }
0x2: {  	[smem:$0x3F9C] =	sst lr;
	_ =	strace $0xD0000000  }
0x3: {  	_ = 	snop  }
0x4: {  	_ = 	snop  }
0x5: {  	_ = 	snop  }
0x6: {  	_ = 	snop  }
0x7: {  	_ = 	snop  }
__scs_overlays_trampoline_lowered:
0x8: {  	[smem:$0x3FAB] =	sst s0  }
0x9: {  	[smem:$0x3FAC] =	sst s1  }
0xa: {  	[smem:$0x3FAD] =	sst s2  }
0xb: {  	[smem:$0x3FAE] =	sst s3  }
0xc: {  	[smem:$0x3FAF] =	sst s4  }
0xd: {  	[smem:$0x3FB0] =	sst s5  }
0xe: {  	[smem:$0x3FB1] =	sst s6  }
0xf: {  	[smem:$0x3FB2] =	sst s7  }
0x10: {  	[smem:$0x3FB3] =	sst s8  }
0x11: {  	[smem:$0x3FB4] =	sst s9;
	s0 =	simm.s32 @!p0 $0x0  }
0x12: {  	s1 =	sld [smem:$0x3F9A];
	s0 =	simm.s32 @p0 $0x1  }
0x13: {  	[smem:$0x3FB5] =	sst s0;
	s0 =	simm.s32 @!p1 $0x0  }
0x14: {  	s2 =	sld [smem:$0x3F99];
	s0 =	simm.s32 @p1 $0x1  }
0x15: {  	[smem:$0x3FB6] =	sst s0;
	s0 =	simm.s32 @!p2 $0x0  }
0x16: {  	s3 =	sld [smem:$0x3FDB];
	s0 =	simm.s32 @p2 $0x1  }
0x17: {  	s4 =	simm.s32 $0x1BF5;
	[smem:$0x3FB8] =	sst s0  }
0x18: {  	s0 =	sld [smem:$0x3F9B];
	_ =	swait.ge [sflag:s4], $0x0  }
0x19: {  	s7 =	sld [smem:$0x3F9C]  }
0x1a: {  	s8 =	sadd.s32 $0xFFFFE003, lr  }
0x1b: {  	s9 =	sadd.s32 $0xFFFFFEF7, lr;
	s5 =	simm.s32 $0xFFFFFFFF;
	p2 =	slt.u32 s8, $0xFFFFF086  }
0x1c: {  	p1 =	slt.u32 s9, $0xF7A;
	s5 =	simm.s32 @!p2 $0x0  }
0x1d: {  	s5 =	simm.s32 @p1 $0x1;
	p0 =	seq.s32 s7, s2  }
0x1e: {  	s7 =	smul.u32 @!p0 $0xF7A, s2;
	p2 =	seq.s32 @!p0 s5, $0x0  }
0x1f: {  	s9 =	smul.u32 $0xF7A, s1;
	s8 =	simm.s32 @!p0 $0x1BF5;
	p2 =	por !p2, p0  }
0x20: {  	[sflag:s8] =	ssyncset.s32 @!p0 $0xFFFFF086;
	s6 =	sadd.s32 @!p0 s3, s7;
	s7 =	simm.s32 @!p0 $0x108  }
0x21: {  	s3 =	sadd.s32 s3, s9;
	s6 =	sadd.s32 @!p0 $0x88, s6;
	s7 =	simm.s32 @p2 $0x1082  }
0x22: {  	[simem:s7], [sflag:s8] =	dma.local @!p0 [hbm:s6], $0xF7A  }
0x23: {  	s9 =	sor.u32 $0xD0000000, s2;
	s6 =	simm.s32 $0x108;
	_ =	swait.ge @!p0 [sflag:s8], $0x0  }
0x24: {  	s3 =	sadd.s32 $0x88, s3;
	s6 =	simm.s32 @!p1 $0x1082;
	[sflag:s4] =	ssyncset.s32 $0xFFFFF086  }
0x25: {  	[simem:s6], [sflag:s4] =	dma.local [hbm:s3], $0xF7A  }
0x26: {  	[smem:$0x3F9C] =	sst s1;
	(tag) =	ssettag s2;
	_ =	strace s9  }
0x27: {  	s1 =	sld [smem:$0x3FAC]  }
0x28: {  	s2 =	sld [smem:$0x3FAD]  }
0x29: {  	s4 =	sld [smem:$0x3FAF]  }
0x2a: {  	p0 =	seq.s32 s5, $0x0;
	s5 =	sld [smem:$0x3FB0]  }
0x2b: {  	s6 =	sld [smem:$0x3FB1]  }
0x2c: {  	s7 =	sld [smem:$0x3FB2]  }
0x2d: {  	s3 =	simm.s32 $0x108;
	s8 =	sld [smem:$0x3FB3]  }
0x2e: {  	s3 =	simm.s32 @!p0 $0x1082;
	s9 =	sld [smem:$0x3FB4]  }
0x2f: {  	lr =	sadd.s32 s0, s3;
	s0 =	sld [smem:$0x3FAB]  }
0x30: {  	s3 =	sld [smem:$0x3FAE]  }
0x31: {  	[smem:$0x3FB7] =	sst s10  }
0x32: {  	s10 =	sld [smem:$0x3FB5];
	_ =	sdelay $0x3  }
0x33: {  	p0 =	seq.s32 s10, $0x1;
	s10 =	sld [smem:$0x3FB7];
	_ =	sdelay $0x3  }
0x34: {  	[smem:$0x3FB7] =	sst s10  }
0x35: {  	s10 =	sld [smem:$0x3FB6];
	_ =	sdelay $0x3  }
0x36: {  	p1 =	seq.s32 s10, $0x1;
	s10 =	sld [smem:$0x3FB7];
	_ =	sdelay $0x3  }
0x37: {  	[smem:$0x3FB7] =	sst s10  }
0x38: {  	s10 =	sld [smem:$0x3FB8]  }
0x39: {  	_ = 	snop;
	(pc) =	sbr.ind lr, $3  }
0x3a: {  	_ = 	snop  }
0x3b: {  	_ = 	snop  }
0x3c: {  	p2 =	seq.s32 s10, $0x1;
	s10 =	sld [smem:$0x3FB7]  }
0x3d: {  	_ =	shalt  }
0x3e: {  	_ =	shalt  }
0x3f: {  	_ =	shalt  }
0x40: {  	_ =	shalt  }
0x41: {  	_ =	shalt  }
0x42: {  	_ =	shalt  }
0x43: {  	_ =	shalt  }
0x44: {  	_ =	shalt  }
0x45: {  	_ =	shalt  }
0x46: {  	_ =	shalt  }
0x47: {  	_ =	shalt  }
0x48: {  	_ =	shalt  }
0x49: {  	_ =	shalt  }
0x4a: {  	_ =	shalt  }
0x4b: {  	_ =	shalt  }
0x4c: {  	_ =	shalt  }
0x4d: {  	_ =	shalt  }
0x4e: {  	_ =	shalt  }
0x4f: {  	_ =	shalt  }
0x50: {  	_ =	shalt  }
0x51: {  	_ =	shalt  }
0x52: {  	_ =	shalt  }
0x53: {  	_ =	shalt  }
0x54: {  	_ =	shalt  }
0x55: {  	_ =	shalt  }
0x56: {  	_ =	shalt  }
0x57: {  	_ =	shalt  }
0x58: {  	_ =	shalt  }
0x59: {  	_ =	shalt  }
0x5a: {  	_ =	shalt  }
0x5b: {  	_ =	shalt  }
0x5c: {  	_ =	shalt  }
0x5d: {  	_ =	shalt  }
0x5e: {  	_ =	shalt  }
0x5f: {  	_ =	shalt  }
0x60: {  	_ =	shalt  }
0x61: {  	_ =	shalt  }
0x62: {  	_ =	shalt  }
0x63: {  	_ =	shalt  }
0x64: {  	_ =	shalt  }
0x65: {  	_ =	shalt  }
0x66: {  	_ =	shalt  }
0x67: {  	_ =	shalt  }
0x68: {  	_ =	shalt  }
0x69: {  	_ =	shalt  }
0x6a: {  	_ =	shalt  }
0x6b: {  	_ =	shalt  }
0x6c: {  	_ =	shalt  }
0x6d: {  	_ =	shalt  }
0x6e: {  	_ =	shalt  }
0x6f: {  	_ =	shalt  }
0x70: {  	_ =	shalt  }
0x71: {  	_ =	shalt  }
0x72: {  	_ =	shalt  }
0x73: {  	_ =	shalt  }
0x74: {  	_ =	shalt  }
0x75: {  	_ =	shalt  }
0x76: {  	_ =	shalt  }
0x77: {  	_ =	shalt  }
0x78: {  	_ =	shalt  }
0x79: {  	_ =	shalt  }
0x7a: {  	_ =	shalt  }
0x7b: {  	_ =	shalt  }
0x7c: {  	_ =	shalt  }
0x7d: {  	_ =	shalt  }
0x7e: {  	_ =	shalt  }
0x7f: {  	_ =	shalt  }
0x80: {  	_ =	shalt  }
0x81: {  	_ =	shalt  }
0x82: {  	_ =	shalt  }
0x83: {  	_ =	shalt  }
0x84: {  	_ =	shalt  }
0x85: {  	_ =	shalt  }
0x86: {  	_ =	shalt  }
0x87: {  	_ =	shalt  }
.Lfunc_end0:
.L_simem_size_0:
called_computation.1_lowered:
.L_overlay_start_0:
0x88: {  	s2 =	sld [smem:$0x3FD9]  }
0x89: {  	s3 =	sld [smem:$0x3FFE];
	_ =	sdelay $0x1  }
0x8a: {  	s1 =	srdreg.scid  }
0x8b: {  	s0 =	sand.u32 $0x1, s1  }
0x8c: {  	s14 =	sshll.u32 s0, $0xA;
	s2 =	sadd.s32 s3, s2  }
0x8d: {  	s2 =	sadd.s32 s2, s14  }
0x8e: {  	[smem:$0x3FC3] =	sst s2  }
0x8f: {  	_ = 	snop  }
0x90: {  	s2 =	sld [smem:$0x3FD0];
	_ =	sdelay $0x2  }
0x91: {  	s15 =	simm.s32 $0xA;
	s4 =	simm.s32 $0x10  }
0x92: {  	[smem:s4], [sflag:s15] =	dma.local [hbm:s2], $0x1  }
0x93: {  	_ =	swait.eq [sflag:s15], $0x1  }
0x94: {  	[sflag:s15] =	ssyncset.done $0x0  }
0x95: {  	[sflag:s15] =	ssyncadd.s32 $0xFFFFFFFF  }
0x96: {  	s16 =	sld [smem:$0x10];
	(tm) =	ssettm $0x1  }
0x97: {  	s17 =	sld [smem:$0x3FFB];
	_ =	sdelay $0x3  }
0x98: {  	_ =	strace s17  }
0x99: {  	s3 =	sld [smem:$0x3FFC];
	_ =	sdelay $0x3  }
0x9a: {  	_ =	strace s3  }
0x9b: {  	s3 =	sld [smem:$0x3FFD];
	_ =	sdelay $0x3  }
0x9c: {  	_ =	strace s3  }
0x9d: {  	_ =	strace $0x8FFFFFFF  }
0x9e: {  	s18 =	sld [smem:$0x3FDB];
	_ =	sdelay $0x1  }
0x9f: {  	s19 =	simm.s32 $_scs_section_size  }
0xa0: {  	s5 =	simm.s32 $_size__tile_overlayer_lowered;
	s6 =	simm.s32 $_tile_overlayer_lowered  }
0xa1: {  	s22 =	simm.s32 $0x1BFF;
	s21 =	sshll.u32 s6, $0x1;
	s3 =	sadd.s32 s19, s18  }
0xa2: {  	s7 =	simm.s32 $0x0;
	s20 =	sshll.u32 s5, $0x1;
	s5 =	sadd.s32 s21, s3  }
0xa3: {  	[timem:s7], [sflag:s22] =	dma.local [hbm:s5], s20  }
0xa4: {  	_ =	swait.ge [sflag:s22], s20  }
0xa5: {  	s4 =	ssub.s32 $0x0, s20;
	[sflag:s22] =	ssyncset.done $0x0  }
0xa6: {  	[sflag:s22] =	ssyncadd.s32 s4;
	_ =	sdelay $0x1  }
0xa7: {  	s23 =	simm.s32 $0x1B8B  }
0xa8: {  	_ =	swait.ge [sflag:s23], $0x1  }
0xa9: {  	[sflag:s23] =	ssyncset.done $0x0  }
0xaa: {  	s25 =	simm.s32 $0x1B8E;
	s24 =	sld [smem:$0x3FFE];
	[sflag:s23] =	ssyncadd.s32 $0xFFFFFFFF  }
0xab: {  	s26 =	simm.s32 $execute0_lowered;
	[smem:$0x3FD2] =	sst s25  }
0xac: {  	s5 =	sshll.u32 s26, $0x1;
	_ =	strace $0x80000046;
	[dreg:$0x1] =	wrdreg $0xFFFFFFFF  }
0xad: {  	s28 =	simm.s32 $_size_execute0_lowered;
	s3 =	sadd.s32 s3, s5;
	[dreg:$0x0] =	wrdreg $0x0  }
0xae: {  	s5 =	sshll.u32 s28, $0x1;
	[dreg:$0x2] =	wrdreg s3  }
0xaf: {  	[dreg:$0x3] =	wrdreg s5  }
0xb0: {  	[dreg:$0x4] =	wrdreg $0xC0  }
0xb1: {  	_ =	task [dreg:s7], $0x5FFFF  }
0xb2: {  	[dreg:$0x1] =	wrdreg $0xFFFFFFFF  }
0xb3: {  	[dreg:$0x0] =	wrdreg $0x60  }
0xb4: {  	[dreg:$0x2] =	wrdreg s16  }
0xb5: {  	[dreg:$0x3] =	wrdreg s24  }
0xb6: {  	[dreg:$0x4] =	wrdreg $0x9  }
0xb7: {  	_ =	task.clear_ibuf [dreg:s7], $0x5FFFF;
	_ =	strace $0x90000046  }
0xb8: {  	s29 =	simm.s32 $0x9;
	_ =	strace $0x80000048  }
0xb9: {  	_ =	swait.ge [sflag:s29], $0x1  }
0xba: {  	[sflag:s29] =	ssyncadd.s32 $0xFFFFFFFF  }
0xbb: {  	_ =	strace $0x90000048  }
0xbc: {  	_ =	sfence  }
0xbd: {  	s30 =	sld [smem:$0x0];
	_ =	sdelay $0x2  }
0xbe: {  	s31 =	sshll.u32 s1, $0xD;
	s1 =	sshrl.u32 s1, $0x2  }
0xbf: {  	s3 =	sand.u32 $0x4000, s31;
	s1 =	sadd.s32 s1, s30  }
0xc0: {  	s0 =	sor.u32 s3, s0;
	s1 =	sshll.u32 s1, $0x11  }
0xc1: {  	s0 =	sor.u32 s1, s0  }
0xc2: {  	s0 =	sadd.s32 $0x8F2B, s0  }
0xc3: {  	[sflag:s0] =	ssyncadd.remote.s32 $0x1  }
0xc4: {  	_ =	sfence.sel $0xFFFF  }
0xc5: {  	[dreg:$0x0] =	wrdreg $0xFFFFFFFF;
	(pc) =	sbr.abs _section_cstart, $3  }
0xc6: {  	[dreg:$0x1] =	wrdreg $0xFFFFFFFF  }
0xc7: {  	_ =	task.clear_ibuf [dreg:s7], $0x2FFFF;
	_ =	strace $0x9FFFFFFF  }
0xc8: {  	(tm) =	ssettm $0x7FFFFFFF  }
0xc9: {  	_ =	shalt  }
tec
execute0_lowered:
.L_overlay_start_1:
0x0: {  	(tag) =	ssettag $0x1  }
0x1: {  	s1 =	rddreg [dreg:$0x0]  }
0x2: {  	s5 =	rddreg [dreg:$0x1]  }
0x3: {  	s0 =	rddreg [dreg:$0x2];
	s2 =	simm.s32 $0x0  }
0x4: {  	s3 =	srdreg.scid;
	s10 =	simm.s32 $0x80;
	s11 =	simm.s32 $0x100  }
0x5: {  	s12 =	simm.s32 $0x1;
	s13 =	simm.s32 $0x3900;
	s14 =	simm.s32 $0x0  }
0x6: {  	[smem:$0x7FF] =	sst s2;
	s6 =	sand.u32 $0x1, s3;
	s3 =	stileid.u32  }
0x7: {  	s4 =	sadd.s32 $0xF42C00, s5;
	s5 =	sadd.s32 $0x800, s5;
	s7 =	ssub.s32 $0x2, s6  }
0x8: {  	_ =	strace $0x80000047;
	s9 =	sshll.u32 s3, $0x1;
	s8 =	sshrl.u32 s7, $0x1  }
0x9: {  	v0 =	vlaneseq.u32;
	s6 =	sor.u32 s6, s9;
	s9 =	simm.s32 $0x70;
	s7 =	ssub.s32 s7, s8  }
0xa: {  	v0 =	vmul.u32 $0x80, v0;
	s6 =	smul.u32 $0x3C, s6;
	s8 =	simm.s32 $0x2;
	s7 =	smax.u32 s7, $0x1  }
.LBB2_1:
0xb: {  	s15 =	simm.s32 $0x0  }
.LBB2_2:
0xc: {  	s16 =	sadd.s32 s6, s15  }
0xd: {  	s17 =	sshll.u32 s16, $0x4  }
0xe: {  	s18 =	sadd.s32 s1, s17;
	s17 =	simm.s32 $0x0  }
0xf: {  	[tilespmem:s17], [sflag:$0x2] =	stream.linear.gather [hbm4b:s18+s17], $0x80, $0x38;
	[tilespmem:$0x7100] =	vst v63  }
0x10: {  	_ =	swait.ge [sflag:s8], $0x80  }
0x11: {  	[sflag:s8] =	ssyncset.done $0x0  }
0x12: {  	[sflag:s8] =	ssyncadd.s32 $0xFFFFFF80  }
0x13: {  	v1 =	vld [tilespmem:$0x0]  }
0x14: {  	v2 =	vld [tilespmem:$0x10]  }
0x15: {  	v3 =	vld [tilespmem:$0x20]  }
0x16: {  	v4 =	vld [tilespmem:$0x30]  }
0x17: {  	v5 =	vld [tilespmem:$0x40]  }
0x18: {  	v6 =	vld [tilespmem:$0x50];
	v1 =	vshra.s32 v1, $0x1  }
0x19: {  	[tilespmem:$0x80] =	vst v1;
	v1 =	vshra.s32 v2, $0x1;
	v2 =	vld [tilespmem:$0x60]  }
0x1a: {  	[tilespmem:$0x90] =	vst v1;
	v1 =	vshra.s32 v3, $0x1  }
0x1b: {  	[tilespmem:$0xA0] =	vst v1;
	v1 =	vshra.s32 v4, $0x1  }
0x1c: {  	[tilespmem:$0xB0] =	vst v1;
	v1 =	vshra.s32 v5, $0x1  }
0x1d: {  	[tilespmem:$0xC0] =	vst v1;
	v1 =	vshra.s32 v6, $0x1  }
0x1e: {  	[tilespmem:$0xD0] =	vst v1;
	v1 =	vshra.s32 v2, $0x1  }
0x1f: {  	[tilespmem:$0xE0] =	vst v1  }
0x20: {  	[tilespmem:s11], [sflag:$0x1] =	stream.indirect.gather [hbm4b:s4+s9], $0x80, s10, s9, $0xb8;
	[tilespmem:$0x7100] =	vst v63  }
0x21: {  	_ =	swait.ge [sflag:s12], $0x3800  }
0x22: {  	[sflag:s12] =	ssyncset.done $0x0  }
0x23: {  	s18 =	simm.s32 $0x0;
	[sflag:s12] =	ssyncadd.s32 $0xFFFFC800  }
.LBB2_3:
0x24: {  	s19 =	sshll.u32 s18, $0x4  }
0x25: {  	v1 =	vld [tilespmem:s19+$0x0];
	_ =	sdelay $0x3  }
0x26: {  	v2 =	vmov s19  }
0x27: {  	v2 =	vshll.u32 v2, $0x7;
	v1 =	vshll.u32 v1, $0x6  }
0x28: {  	v3 =	vand.u32 $0x40, v1;
	v1 =	vor.u32 v0, v2  }
0x29: {  	v2 =	vor.u32 v3, v1  }
0x2a: {  	v3 =	vor.u32 s17, v2;
	_ =	sdelay $0x4  }
0x2b: {  	s19 =	simm.s32 $0x1;
	v4 =	vor.u32 s17, v1;
	v3 =	vld.idx.msk [tilespmem:v3+s11+$0x0], $0xffff  }
0x2c: {  	s20 =	simm.s32 $0x2;
	v5 =	vor.u32 s19, v2  }
.LBB2_4:
0x2d: {  	p0 =	sne.s32 s20, $0x3F;
	_ =	sdelay $0x1  }
.Ltmp0:
0x2e: {  	(pc) =	sbr.rel @p0 .LBB2_4-.Ltmp0, $4  }
0x2f: {  	[tilespmem:v4+s13+$0x0] =	vst.idx.msk $0xffff, v3  }
0x30: {  	v3 =	vld.idx.msk [tilespmem:v5+s11+$0x0], $0xffff  }
0x31: {  	v4 =	vor.u32 s19, v1;
	s19 =	smov.u32 s20  }
0x32: {  	s20 =	sadd.s32 $0x1, s20;
	v5 =	vor.u32 s19, v2  }
0x33: {  	_ =	sdelay $0x3  }
0x34: {  	s18 =	sadd.s32 $0x1, s18;
	[tilespmem:v4+s13+$0x0] =	vst.idx.msk $0xffff, v3  }
0x35: {  	v1 =	vor.u32 s19, v1;
	p0 =	sne.s32 s18, $0x7;
	v2 =	vld.idx.msk [tilespmem:v5+s11+$0x0], $0xffff  }
.Ltmp1:
0x36: {  	_ = 	snop;
	(pc) =	sbr.rel @p0 .LBB2_3-.Ltmp1, $2  }
0x37: {  	_ =	sdelay $0x2  }
0x38: {  	[tilespmem:v1+s13+$0x0] =	vst.idx.msk $0xffff, v2  }
0x39: {  	s16 =	smul.u32 $0x700, s16;
	s15 =	sadd.s32 $0x1, s15  }
0x3a: {  	p0 =	sne.s32 s15, $0x3C  }
.Ltmp2:
0x3b: {  	s16 =	sadd.s32 s5, s16;
	(pc) =	sbr.rel @p0 .LBB2_2-.Ltmp2, $4  }
0x3c: {  	[hbm4b:s16+s2] =	stream.linear.scatter [tilespmem:s13], [sflag:$0x2], $0x3800, $0x38;
	[tilespmem:$0x7100] =	vst v63  }
0x3d: {  	_ =	swait.ge [sflag:s8], $0x3800  }
0x3e: {  	[sflag:s8] =	ssyncset.done $0x0  }
0x3f: {  	[sflag:s8] =	ssyncadd.s32 $0xFFFFC800  }
0x40: {  	s14 =	sadd.s32 $0x1, s14  }
0x41: {  	p0 =	sne.s32 s14, s7  }
.Ltmp3:
0x42: {  	_ = 	snop;
	(pc) =	sbr.rel @p0 .LBB2_1-.Ltmp3, $1  }
0x43: {  	_ =	sdelay $0x3  }
0x44: {  	_ =	sfence.sel $0x180000  }
0x45: {  	[bflag:$0x0] =	sbarrier.arrive $0xFFFF  }
0x46: {  	p0 =	sne.s32 s3, $0x0;
	_ =	strace $0x90000047  }
0x47: {  	s0 =	sadd.s32 @!p0 $0x100000, s0;
	[bflag:$0x2] =	sbarrier.arrive $0xFFFF  }
0x48: {  	[sflag:s0] =	ssyncadd.tile.s32 @!p0 $0x1;
	_ =	shalt  }
.Lfunc_end2:
_tile_overlayer_lowered:
.L_overlay_start_2:
0x49: {  	(tag) =	ssettag $0x2  }
0x4a: {  	s0 =	rddreg [dreg:$0x0];
	s2 =	stileid.u32  }
0x4b: {  	s1 =	rddreg [dreg:$0x1];
	p0 =	sne.s32 s2, $0x0  }
0x4c: {  	s3 =	rddreg [dreg:$0x2];
	[bflag:$0x3] =	sbarrier.arrive $0xFFFF;
	s2 =	simm.s32 @!p0 $0x1C02  }
0x4d: {  	[timem:s3], [sflag:s2] =	dma.local @!p0 [hbm:s0], s1  }
0x4e: {  	s0 =	simm.s32 @!p0 $0x2  }
0x4f: {  	_ =	swait.ge @!p0 [sflag:s0], s1  }
0x50: {  	s1 =	ssub.s32 @!p0 $0x0, s1;
	[sflag:s0] =	ssyncset.done @!p0 $0x0  }
0x51: {  	[sflag:s0] =	ssyncadd.s32 @!p0 s1  }
0x52: {  	[bflag:$0x3] =	sbarrier.arrive $0xFFFF  }
0x53: {  	_ =	shalt  }

// kernel: sparse-core-data-format-call.cloned.1.call-start
scs
called_computation_lowered:
.L_overlay_start_0:
0x0: {  	s2 =	sld [smem:$0x3FD9]  }
0x1: {  	s3 =	sld [smem:$0x3FFE];
	_ =	sdelay $0x1  }
0x2: {  	s1 =	srdreg.scid  }
0x3: {  	s0 =	sand.u32 $0x1, s1  }
0x4: {  	s15 =	sshll.u32 s0, $0xA;
	s2 =	sadd.s32 s3, s2  }
0x5: {  	s2 =	sadd.s32 s2, s15  }
0x6: {  	[smem:$0x3FC3] =	sst s2  }
0x7: {  	_ = 	snop  }
0x8: {  	s2 =	sld [smem:$0x3FD0];
	_ =	sdelay $0x2  }
0x9: {  	s16 =	simm.s32 $0xA;
	s4 =	simm.s32 $0x10  }
0xa: {  	[smem:s4], [sflag:s16] =	dma.local [hbm:s2], $0x1  }
0xb: {  	_ =	swait.eq [sflag:s16], $0x1  }
0xc: {  	[sflag:s16] =	ssyncset.done $0x0  }
0xd: {  	[sflag:s16] =	ssyncadd.s32 $0xFFFFFFFF  }
0xe: {  	s17 =	sld [smem:$0x10];
	(tm) =	ssettm $0x1  }
0xf: {  	s18 =	sld [smem:$0x3FFB];
	_ =	sdelay $0x3  }
0x10: {  	_ =	strace s18  }
0x11: {  	s3 =	sld [smem:$0x3FFC];
	_ =	sdelay $0x3  }
0x12: {  	_ =	strace s3  }
0x13: {  	s3 =	sld [smem:$0x3FFD];
	_ =	sdelay $0x3  }
0x14: {  	_ =	strace s3  }
0x15: {  	_ =	strace $0x8FFFFFFF  }
0x16: {  	s19 =	sld [smem:$0x3FDB];
	_ =	sdelay $0x1  }
0x17: {  	s20 =	simm.s32 $_scs_section_size  }
0x18: {  	s5 =	simm.s32 $_size__tile_overlayer_lowered;
	s6 =	simm.s32 $_tile_overlayer_lowered  }
0x19: {  	s23 =	simm.s32 $0x1BFF;
	s22 =	sshll.u32 s6, $0x1;
	s3 =	sadd.s32 s20, s19  }
0x1a: {  	s7 =	simm.s32 $0x0;
	s21 =	sshll.u32 s5, $0x1;
	s5 =	sadd.s32 s22, s3  }
0x1b: {  	[timem:s7], [sflag:s23] =	dma.local [hbm:s5], s21  }
0x1c: {  	_ =	swait.ge [sflag:s23], s21  }
0x1d: {  	s4 =	ssub.s32 $0x0, s21;
	[sflag:s23] =	ssyncset.done $0x0  }
0x1e: {  	[sflag:s23] =	ssyncadd.s32 s4;
	_ =	sdelay $0x1  }
0x1f: {  	s24 =	simm.s32 $0x1B8B  }
0x20: {  	_ =	swait.ge [sflag:s24], $0x1  }
0x21: {  	[sflag:s24] =	ssyncset.done $0x0  }
0x22: {  	s26 =	simm.s32 $0x1B8E;
	s25 =	sld [smem:$0x3FFE];
	[sflag:s24] =	ssyncadd.s32 $0xFFFFFFFF  }
0x23: {  	s27 =	simm.s32 $execute0_lowered;
	[smem:$0x3FD2] =	sst s26  }
0x24: {  	s5 =	sshll.u32 s27, $0x1;
	_ =	strace $0x80000049;
	[dreg:$0x1] =	wrdreg $0xFFFFFFFF  }
0x25: {  	s28 =	simm.s32 $_size_execute0_lowered;
	s3 =	sadd.s32 s3, s5;
	[dreg:$0x0] =	wrdreg $0x0  }
0x26: {  	s5 =	sshll.u32 s28, $0x1;
	[dreg:$0x2] =	wrdreg s3  }
0x27: {  	[dreg:$0x3] =	wrdreg s5  }
0x28: {  	[dreg:$0x4] =	wrdreg $0xC0  }
0x29: {  	_ =	task [dreg:s7], $0x5FFFF  }
0x2a: {  	[dreg:$0x1] =	wrdreg $0xFFFFFFFF  }
0x2b: {  	[dreg:$0x0] =	wrdreg $0x60  }
0x2c: {  	[dreg:$0x2] =	wrdreg s25  }
0x2d: {  	[dreg:$0x3] =	wrdreg s17  }
0x2e: {  	[dreg:$0x4] =	wrdreg $0x9  }
0x2f: {  	_ =	task.clear_ibuf [dreg:s7], $0x5FFFF;
	_ =	strace $0x90000049  }
0x30: {  	s29 =	simm.s32 $0x9;
	_ =	strace $0x8000004B  }
0x31: {  	_ =	swait.ge [sflag:s29], $0x1  }
0x32: {  	[sflag:s29] =	ssyncadd.s32 $0xFFFFFFFF  }
0x33: {  	_ =	strace $0x9000004B  }
0x34: {  	_ =	sfence  }
0x35: {  	s30 =	sld [smem:$0x0];
	_ =	sdelay $0x2  }
0x36: {  	s31 =	sshll.u32 s1, $0xD;
	s1 =	sshrl.u32 s1, $0x2  }
0x37: {  	s3 =	sand.u32 $0x4000, s31;
	s1 =	sadd.s32 s1, s30  }
0x38: {  	s0 =	sor.u32 s3, s0;
	s1 =	sshll.u32 s1, $0x11  }
0x39: {  	s0 =	sor.u32 s1, s0  }
0x3a: {  	s0 =	sadd.s32 $0x8F2B, s0  }
0x3b: {  	[sflag:s0] =	ssyncadd.remote.s32 $0x1  }
0x3c: {  	_ =	sfence.sel $0xFFFF  }
0x3d: {  	[dreg:$0x0] =	wrdreg $0xFFFFFFFF;
	(pc) =	sbr.abs _section_cstart, $3  }
0x3e: {  	[dreg:$0x1] =	wrdreg $0xFFFFFFFF  }
0x3f: {  	_ =	task.clear_ibuf [dreg:s7], $0x2FFFF;
	_ =	strace $0x9FFFFFFF  }
0x40: {  	(tm) =	ssettm $0x7FFFFFFF  }
0x41: {  	_ =	shalt  }
tec
execute0_lowered:
.L_overlay_start_1:
0x0: {  	(tag) =	ssettag $0x1  }
0x1: {  	s0 =	stileid.u32  }
0x2: {  	s7 =	rddreg [dreg:$0x0];
	s1 =	srdreg.scid  }
0x3: {  	s2 =	rddreg [dreg:$0x1];
	s31 =	simm.s32 $0x2;
	s13 =	simm.s32 $0x0  }
0x4: {  	s14 =	simm.s32 $0x0;
	s3 =	sshll.u32 s0, $0x7;
	s4 =	sshll.u32 s1, $0x4  }
0x5: {  	s12 =	simm.s32 $0x0;
	s3 =	sand.u32 $0x380, s3;
	s4 =	sand.u32 $0x10, s4  }
0x6: {  	s1 =	rddreg [dreg:$0x2];
	s5 =	ssub.s32 $0x400, s3;
	s4 =	sor.u32 s0, s4  }
0x7: {  	_ =	strace $0x8000004A;
	s6 =	sand.u32 $0x380, s5;
	s4 =	sshrl.u32 s4, $0x3  }
0x8: {  	s8 =	sshrl.u32 s5, $0xA;
	p0 =	sne.s32 s6, $0x0;
	s6 =	simm.s32 $0x1  }
.Ltmp0:
0x9: {  	s9 =	ssub.s32 $0xD5, s4;
	s6 =	simm.s32 @!p0 $0x0;
	(pc) =	sbr.rel .LBB1_1-.Ltmp0, $4  }
0xa: {  	s5 =	simm.s32 $0x1;
	s30 =	sshrl.u32 s9, $0x2;
	s6 =	sadd.s32 s6, s8  }
0xb: {  	s7 =	sadd.s32 $0x348800, s7;
	[sflag:s5] =	ssyncpa.u1 $0x0;
	s6 =	smul.u32 s30, s6  }
0xc: {  	s11 =	smov.u32 s3;
	s10 =	smov.u32 s4;
	[sflag:s31] =	ssyncpa.u1 $0x0  }
0xd: {  	p0 =	por $0x0, $0x0;
	s9 =	simm.s32 $0x2000;
	s8 =	sadd.s32 $0x1, s6  }
.LBB1_4:
0xe: {  	s17 =	sand.u32 $0x1F80, s14;
	s13 =	sshll.u32 s13, $0xD  }
0xf: {  	[tilespmem:s16+$0x810 ss:$0x81] =	vst.msk $0xffff, v2;
	s18 =	sshrl.u32 s14, $0x3;
	s31 =	sand.u32 $0x7, s14;
	s17 =	sadd.s32 s2, s17  }
0x10: {  	[tilespmem:s16+$0x1020 ss:$0x81] =	vst.msk $0xffff, v0;
	s18 =	sand.u32 $0xF, s18;
	s14 =	sshll.u32 s31, $0x12;
	s13 =	sadd.s32 s13, s17  }
0x11: {  	[tilespmem:s16+$0x0 ss:$0x81] =	vst.msk $0xffff, v1;
	s14 =	sor.u32 $0x400, s14;
	s13 =	sadd.s32 s18, s13  }
0x12: {  	[hbm4b:s13+s14] =	stream.strided.scatter [tilespmem:s15], [sflag:$0x2], $0x2000, s9, s14, $0x20;
	[tilespmem:$0x8080] =	vst v63  }
.LBB1_5:
0x13: {  	s15 =	sadd.s32 $0x4, s10  }
0x14: {  	s13 =	sadd.s32 $0x400, s11;
	s17 =	smov.u32 s11;
	p2 =	sgt.s32 s15, $0xD1  }
0x15: {  	s17 =	smov.u32 @p2 s13  }
0x16: {  	s15 =	smov.u32 @p2 s4;
	p2 =	sgt.s32 s17, $0x3FF  }
0x17: {  	s17 =	smov.u32 @p2 s3;
	p2 =	sne.s32 s12, s8  }
.Ltmp1:
0x18: {  	p1 =	slt.u32 s12, $0x2;
	(pc) =	sbr.rel @!p2 .LBB1_6-.Ltmp1, $4  }
0x19: {  	s16 =	simm.s32 @!p1 $0x2  }
0x1a: {  	s14 =	smov.u32 s11;
	p0 =	por !p0, !p0;
	_ =	swait.ge @!p1 [sflag:s16], $0x2000  }
0x1b: {  	s13 =	smov.u32 s10;
	[sflag:s16] =	ssyncset.done @!p1 $0x0;
	s10 =	smov.u32 s15  }
0x1c: {  	s12 =	sadd.s32 $0x1, s12;
	[sflag:s16] =	ssyncadd.s32 @!p1 $0xFFFFE000;
	s11 =	smov.u32 s17  }
.LBB1_1:
0x1d: {  	p1 =	sge.u32 s12, s6  }
0x1e: {  	s15 =	sand.u32 @!p1 $0x1FFFFFF, s10  }
0x1f: {  	s16 =	smulhi.u32 @!p1 $0x12F684C, s15;
	_ =	sdelay $0x1  }
0x20: {  	s16 =	smul.u32 @!p1 $0xD8, s16  }
0x21: {  	s17 =	sxor.u32 @!p1 $0xFFFFFFFF, s12;
	s18 =	smul.u32 @!p1 $0xD80, s11  }
0x22: {  	s31 =	sadd.s32 $0xFFFFFFFF, s12;
	s17 =	sshll.u32 @!p1 s17, $0xD;
	s15 =	ssub.s32 @!p1 s15, s16  }
0x23: {  	s16 =	sand.u32 @!p1 $0x2000, s17;
	s17 =	sadd.s32 @!p1 s7, s18;
	s15 =	sshll.u32 @!p1 s15, $0x4  }
0x24: {  	s18 =	simm.s32 @!p1 $0x6C00;
	s15 =	sadd.s32 @!p1 s15, s17;
	s17 =	simm.s32 @!p1 $0x40  }
0x25: {  	[tilespmem:s16], [sflag:$0x1] =	stream.strided.gather @!p1 [hbm4b:s15+s17], $0x2000, s18, s17, $0x38;
	[tilespmem:$0x8080] =	vst v63  }
0x26: {  	p1 =	sge.u32 s31, s6  }
.Ltmp2:
0x27: {  	_ = 	snop;
	(pc) =	sbr.rel @p1 .LBB1_5-.Ltmp2, $1  }
0x28: {  	_ =	sdelay $0x3  }
0x29: {  	s15 =	simm.s32 $0x1  }
0x2a: {  	_ =	swait.ge [sflag:s5], $0x2000;
	s15 =	simm.s32 @!p0 $0x0  }
0x2b: {  	[sflag:s5] =	ssyncset.done $0x0;
	s16 =	sshll.u32 s15, $0xD  }
0x2c: {  	[sflag:s5] =	ssyncadd.s32 $0xFFFFE000;
	s19 =	sor.u32 $0x20, s16  }
0x2d: {  	s15 =	smul.u32 $0x8100, s15;
	v3 =	vld [tilespmem:s19+$0x10]  }
0x2e: {  	s30 =	sand.u32 $0x1, s12;
	v2 =	vld [tilespmem:s19+$0xFFFFFFF0]  }
0x2f: {  	s16 =	smul.u32 $0x8100, s30;
	s15 =	sshrl.u32 s15, $0x2;
	v0 =	vld [tilespmem:s19+$0x0]  }
0x30: {  	v1 =	vld [tilespmem:s19+$0xFFFFFFE0];
	s17 =	sor.u32 $0x4000, s15  }
0x31: {  	s31 =	sshrl.u32 s16, $0x2;
	s16 =	sadd.s32 $0x0, s17  }
0x32: {  	s18 =	simm.s32 $0x4;
	s19 =	sadd.s32 $0x40, s19;
	s15 =	sor.u32 $0x4000, s31;
	[tilespmem:s16+$0x1830 ss:$0x81] =	vst.msk $0xffff, v3  }
.LBB1_3:
0x33: {  	v3 =	vld [tilespmem:s19+$0x10];
	p1 =	sne.s32 s18, $0x1FC;
	[tilespmem:s16+$0x810 ss:$0x81] =	vst.msk $0xffff, v2;
	s20 =	smov.u32 s18;
	s18 =	sadd.s32 $0x4, s18  }
.Ltmp3:
0x34: {  	v2 =	vld [tilespmem:s19+$0xFFFFFFF0];
	[tilespmem:s16+$0x1020 ss:$0x81] =	vst.msk $0xffff, v0;
	(pc) =	sbr.rel @p1 .LBB1_3-.Ltmp3, $4  }
0x35: {  	v0 =	vld [tilespmem:s19+$0x0];
	[tilespmem:s16+$0x0 ss:$0x81] =	vst.msk $0xffff, v1  }
0x36: {  	s16 =	sshra.s32 s20, $0x2;
	v1 =	vld [tilespmem:s19+$0xFFFFFFE0]  }
0x37: {  	s16 =	sadd.s32 s16, s17  }
0x38: {  	s19 =	sadd.s32 $0x40, s19;
	[tilespmem:s16+$0x1830 ss:$0x81] =	vst.msk $0xffff, v3  }
.Ltmp4:
0x39: {  	_ = 	snop;
	(pc) =	sbr.rel .LBB1_4-.Ltmp4, $1  }
0x3a: {  	_ =	sdelay $0x3  }
.LBB1_6:
0x3b: {  	_ =	sfence.sel $0x180000  }
0x3c: {  	s2 =	simm.s32 $0x1;
	[bflag:$0x0] =	sbarrier.arrive $0xFFFF  }
0x3d: {  	s31 =	simm.s32 $0x2;
	[sflag:s2] =	ssyncpa.u1 $0x1  }
0x3e: {  	[sflag:s31] =	ssyncpa.u1 $0x1  }
0x3f: {  	p0 =	sne.s32 s0, $0x0;
	_ =	strace $0x9000004A  }
0x40: {  	s0 =	sadd.s32 @!p0 $0x100000, s1;
	[bflag:$0x2] =	sbarrier.arrive $0xFFFF  }
0x41: {  	[sflag:s0] =	ssyncadd.tile.s32 @!p0 $0x1;
	_ =	shalt  }
.Lfunc_end1:
_tile_overlayer_lowered:
.L_overlay_start_2:
0x42: {  	(tag) =	ssettag $0x2  }
0x43: {  	s0 =	rddreg [dreg:$0x0];
	s2 =	stileid.u32  }
0x44: {  	s1 =	rddreg [dreg:$0x1];
	p0 =	sne.s32 s2, $0x0  }
0x45: {  	s3 =	rddreg [dreg:$0x2];
	[bflag:$0x3] =	sbarrier.arrive $0xFFFF;
	s2 =	simm.s32 @!p0 $0x1C01  }
0x46: {  	[timem:s3], [sflag:s2] =	dma.local @!p0 [hbm:s0], s1  }
0x47: {  	s0 =	simm.s32 @!p0 $0x1  }
0x48: {  	_ =	swait.ge @!p0 [sflag:s0], s1  }
0x49: {  	s1 =	ssub.s32 @!p0 $0x0, s1;
	[sflag:s0] =	ssyncset.done @!p0 $0x0  }
0x4a: {  	[sflag:s0] =	ssyncadd.s32 @!p0 s1  }
0x4b: {  	[bflag:$0x3] =	sbarrier.arrive $0xFFFF  }
0x4c: {  	_ =	shalt  }

</sc_bundles>
